<compile_context>
chip_gen: v7x
topology: tpu7x:2x2x1
jax: 0.10.2.dev20260603
libtpu: 0.0.44.dev20260713+nightly
codegen_flags: <defaults>
</compile_context>

<pallas_src>
import functools

import jax
import jax.numpy as jnp
from jax import lax
from jax.experimental import pallas as pl
from jax.experimental.pallas import tpu as pltpu
from jax.experimental.pallas import tpu_sc as plsc

NC = 2
NS = 16
CH = 128
G = 4


def _pre_body(h_ref, c_ref, ufw_ref, ufb_ref, t_ref):
    h_blk = h_ref[...]
    hu = lax.dot_general(h_blk, ufw_ref[...], (((1,), (1,)), ((), ())),
                         preferred_element_type=jnp.float32)
    f = jax.nn.sigmoid(hu + ufb_ref[...])
    fc = f * c_ref[...]
    d = h_blk.shape[1]
    half = d // 2
    t_ref[0, :, 0:half] = h_blk[:, 0:half]
    t_ref[0, :, half:d] = fc[:, 0:half]
    t_ref[1, :, 0:half] = h_blk[:, half:d]
    t_ref[1, :, half:d] = fc[:, half:d]


def _pre(h, c, U_f_w, U_f_b, block_rows):
    n, d = h.shape
    grid = n // block_rows
    return pl.pallas_call(
        _pre_body,
        grid=(grid,),
        in_specs=[
            pl.BlockSpec((block_rows, d), lambda i: (i, 0)),
            pl.BlockSpec((block_rows, d), lambda i: (i, 0)),
            pl.BlockSpec((d, d), lambda i: (0, 0)),
            pl.BlockSpec((1, d), lambda i: (0, 0)),
        ],
        out_specs=pl.BlockSpec((NC, block_rows, d), lambda i: (0, i, 0)),
        out_shape=jax.ShapeDtypeStruct((NC, n, d), jnp.float32),
    )(h, c, U_f_w, U_f_b)


def _sc_segsum(t_flat, eidx, zeros, n, d, cpt, acc_rows):
    zrows = acc_rows // NS
    ngrp = cpt // G

    mesh = plsc.VectorSubcoreMesh(core_axis_name="c", subcore_axis_name="s")

    @functools.partial(
        pl.kernel,
        out_type=jax.ShapeDtypeStruct((NC, acc_rows, d), jnp.float32),
        mesh=mesh,
        scratch_types=[
            pltpu.VMEM_SHARED((acc_rows, d), jnp.float32),
            pltpu.VMEM((2, CH), jnp.int32),
            pltpu.VMEM((2, CH), jnp.int32),
            pltpu.VMEM((CH, d), jnp.float32),
            pltpu.VMEM((CH, d), jnp.float32),
            pltpu.SemaphoreType.DMA,
            pltpu.SemaphoreType.DMA,
        ],
    )
    def k(t_hbm, eidx_hbm, zeros_hbm, out_hbm,
          acc, idx0, idx1, rows0, rows1, sem0, sem1):
        core = lax.axis_index("c")
        sub = lax.axis_index("s")

        pltpu.sync_copy(zeros_hbm, acc.at[pl.ds(sub * zrows, zrows)])
        plsc.subcore_barrier()

        def start_gather(t, idx, buf, sem):
            pltpu.sync_copy(eidx_hbm.at[core, sub, t], idx)
            return pltpu.async_copy(t_hbm.at[idx.at[0]], buf, sem)

        def scatter(idx, buf):
            pltpu.sync_copy(buf, acc.at[idx.at[1]], add=True)

        @pl.loop(0, cpt // 2)
        def _(i):
            t = i * 2
            cp0 = start_gather(t, idx0, rows0, sem0)
            cp1 = start_gather(t + 1, idx1, rows1, sem1)
            cp0.wait()
            scatter(idx0, rows0)
            cp1.wait()
            scatter(idx1, rows1)

        plsc.subcore_barrier()
        pltpu.sync_copy(acc.at[pl.ds(sub * zrows, zrows)],
                        out_hbm.at[core, pl.ds(sub * zrows, zrows)])

    return k(t_flat, eidx, zeros)


def _post_body(x_ref, parts_ref, wiou_ref, uiou_ref, biou_ref,
               h_new_ref, c_new_ref):
    d = x_ref.shape[1]
    half = d // 2
    ht = jnp.concatenate(
        [parts_ref[0, :, 0:half], parts_ref[1, :, 0:half]], axis=1)
    ca = jnp.concatenate(
        [parts_ref[0, :, half:d], parts_ref[1, :, half:d]], axis=1)
    iou = (
        lax.dot_general(x_ref[...], wiou_ref[...], (((1,), (1,)), ((), ())),
                        preferred_element_type=jnp.float32)
        + lax.dot_general(ht, uiou_ref[...], (((1,), (1,)), ((), ())),
                          preferred_element_type=jnp.float32)
        + biou_ref[...]
    )
    i_g = jax.nn.sigmoid(iou[:, 0:d])
    o_g = jax.nn.sigmoid(iou[:, d:2 * d])
    u_g = jnp.tanh(iou[:, 2 * d:3 * d])
    c_new = i_g * u_g + ca
    h_new = o_g * jnp.tanh(c_new)
    c_new_ref[...] = c_new
    h_new_ref[...] = h_new


def _post(x, parts, W_iou, U_iou, b_iou, block_rows):
    n, d = x.shape
    grid = n // block_rows
    return pl.pallas_call(
        _post_body,
        grid=(grid,),
        in_specs=[
            pl.BlockSpec((block_rows, d), lambda i: (i, 0)),
            pl.BlockSpec((NC, block_rows, d), lambda i: (0, i, 0)),
            pl.BlockSpec((3 * d, d), lambda i: (0, 0)),
            pl.BlockSpec((3 * d, d), lambda i: (0, 0)),
            pl.BlockSpec((1, 3 * d), lambda i: (0, 0)),
        ],
        out_specs=[
            pl.BlockSpec((block_rows, d), lambda i: (i, 0)),
            pl.BlockSpec((block_rows, d), lambda i: (i, 0)),
        ],
        out_shape=[
            jax.ShapeDtypeStruct((n, d), jnp.float32),
            jax.ShapeDtypeStruct((n, d), jnp.float32),
        ],
    )(x, parts, W_iou, U_iou, b_iou)


def kernel(x, h, c, edge_index, W_iou, U_iou, b_iou, U_f_w, U_f_b):
    n, d = h.shape
    e = edge_index.shape[1]

    src = edge_index[0].astype(jnp.int32)
    dst = edge_index[1].astype(jnp.int32)

    edges_per_group_unit = NS * CH * 2
    e_pad = -(-e // edges_per_group_unit) * edges_per_group_unit
    cpt = e_pad // (NS * CH)
    pad = e_pad - e
    srcp = jnp.concatenate([src, jnp.zeros((pad,), jnp.int32)])
    dstp = jnp.concatenate([dst, jnp.full((pad,), n, jnp.int32)])

    acc_rows = -(-(n + 8) // (NS * 8)) * (NS * 8)
    zrows = acc_rows // NS

    sidx = jnp.stack([srcp, srcp + n]).reshape(NC, NS, cpt, 1, CH)
    didx = jnp.broadcast_to(dstp.reshape(1, NS, cpt, 1, CH),
                            (NC, NS, cpt, 1, CH))
    eidx = jnp.concatenate([sidx, didx], axis=3)
    zeros = jnp.zeros((zrows, d), jnp.float32)

    t_tab = _pre(h, c, U_f_w, U_f_b.reshape(1, d), block_rows=1000)
    parts = _sc_segsum(t_tab.reshape(NC * n, d), eidx, zeros,
                       n, d, cpt, acc_rows)
    h_new, c_new = _post(x, parts, W_iou, U_iou, b_iou, block_rows=1000)
    return (h_new, c_new)

# --- scband reference (transcript-rebuilt; emitter-appended) ---
"""Pipeline reference for scband-child-sum-tree-lstmcell-30855045054488 (READ-ONLY COPY).

The authoritative reference and input builder live on the scoring server;
editing this copy changes nothing except your own understanding.
"""

import jax, jax.numpy as jnp
import numpy as np

N_NODES = 10000
N_EDGES = 320000
D_EMB = 128
D_ENC = 128

def setup_inputs(seed: int = 0) -> dict:
    key = jax.random.key(seed)
    ks = jax.random.split(key, 10)
    x = jax.random.normal(ks[0], (N_NODES, D_EMB), dtype=jnp.float32)
    h = jax.random.normal(ks[1], (N_NODES, D_ENC), dtype=jnp.float32)
    c = jax.random.normal(ks[2], (N_NODES, D_ENC), dtype=jnp.float32)
    edge_index = jax.random.randint(ks[3], (2, N_EDGES), 0, N_NODES, dtype=jnp.int64)
    # Learned parameters (torch nn.Linear stores weight as [out, in])
    W_iou = jax.random.normal(ks[4], (3 * D_ENC, D_EMB), dtype=jnp.float32) * 0.02
    U_iou = jax.random.normal(ks[5], (3 * D_ENC, D_ENC), dtype=jnp.float32) * 0.02
    b_iou = jnp.zeros((1, 3 * D_ENC), dtype=jnp.float32)
    U_f_w = jax.random.normal(ks[6], (D_ENC, D_ENC), dtype=jnp.float32) * 0.02
    U_f_b = jnp.zeros((D_ENC,), dtype=jnp.float32)
    return {"x": x, "h": h, "c": c, "edge_index": edge_index,
            "W_iou": W_iou, "U_iou": U_iou, "b_iou": b_iou,
            "U_f_w": U_f_w, "U_f_b": U_f_b}

def reference(x, h, c, edge_index, W_iou, U_iou, b_iou, U_f_w, U_f_b):
    # One ChildSum TreeLSTM message-passing step over edge_index (src -> dst).
    src = edge_index[0]
    dst = edge_index[1]
    n = x.shape[0]
    # message_func: gather child states along edges
    h_src = jnp.take(h, src, axis=0)  # [E, d]
    c_src = jnp.take(c, src, axis=0)  # [E, d]
    # reduce_func: h_tilde = sum over mailbox of h; f = sigmoid(U_f(h_child));
    # c = sum over mailbox of f * c_child
    h_tilde = jax.ops.segment_sum(h_src, dst, num_segments=n)  # [N, d]
    f = jax.nn.sigmoid(h_src @ U_f_w.T + U_f_b)                # [E, d]
    c_agg = jax.ops.segment_sum(f * c_src, dst, num_segments=n)  # [N, d]
    # node iou initialized from input embedding via W_iou (bias=False),
    # then reduce adds U_iou(h_tilde)
    iou = x @ W_iou.T + h_tilde @ U_iou.T
    # apply_node_func
    iou = iou + b_iou
    i, o, u = jnp.split(iou, 3, axis=1)
    i = jax.nn.sigmoid(i)
    o = jax.nn.sigmoid(o)
    u = jnp.tanh(u)
    c_new = i * u + c_agg
    h_new = o * jnp.tanh(c_new)
    return (h_new, c_new)

if __name__ == "__main__":
    import jax
    _d = setup_inputs()
    print(jax.jit(kernel)(*tuple(_d.values())))

</pallas_src>

<mosaic_0001>
#map = affine_map<(d0, d1) -> (0, 0)>
#map1 = affine_map<(d0, d1) -> (0, 0, 0, 0, 0)>
#map2 = affine_map<(d0, d1) -> (0, 0, 0)>
module attributes {stable_mosaic.version = 14 : i64} {
  func.func @k(%arg0: i32, %arg1: i32, %arg2: memref<20000x128xf32, #tpu.memory_space<hbm>>, %arg3: memref<2x16x158x2x128xi32, #tpu.memory_space<hbm>>, %arg4: memref<632x128xf32, #tpu.memory_space<hbm>>, %arg5: memref<2x10112x128xf32, #tpu.memory_space<hbm>>, %arg6: memref<10112x128xf32, #tpu.memory_space<vmem_shared>>, %arg7: memref<2x128xi32, #tpu.memory_space<vmem>>, %arg8: memref<2x128xi32, #tpu.memory_space<vmem>>, %arg9: memref<128x128xf32, #tpu.memory_space<vmem>>, %arg10: memref<128x128xf32, #tpu.memory_space<vmem>>, %arg11: memref<!tpu.dma_semaphore, #tpu.memory_space<semaphore_mem>>, %arg12: memref<!tpu.dma_semaphore, #tpu.memory_space<semaphore_mem>>) attributes {dimension_semantics = [#tpu.dimension_semantics<core_parallel>, #tpu.dimension_semantics<subcore_parallel>], iteration_bounds = array<i64: 2, 16>, scalar_prefetch = 0 : i64, scratch_operands = 7 : i64, tpu.core_type = #tpu.core_type<sc_vector_subcore>, window_params = [{transform_indices = #map}, {transform_indices = #map1}, {transform_indices = #map}, {transform_indices = #map2}]} {
    %mul3A = arith.constant 632 : i32
    %mul3A_0 = arith.muli %arg1, %mul3A : i32
    "tpu.region"() ({
      %run_scoped3A = tpu.sem_alloc : memref<!tpu.dma_semaphore, #tpu.memory_space<semaphore_mem>>
      %dma_start3A = arith.constant 0 : i32
      %dma_start3A_10 = tpu.memref_slice %arg6[%mul3A_0, %dma_start3A] : memref<10112x128xf32, #tpu.memory_space<vmem_shared>> -> memref<632x128xf32, #tpu.memory_space<vmem_shared>>
      tpu.enqueue_dma source(%arg4 : memref<632x128xf32, #tpu.memory_space<hbm>>) target(%dma_start3A_10 : memref<632x128xf32, #tpu.memory_space<vmem_shared>>) target_semaphore(%run_scoped3A : memref<!tpu.dma_semaphore, #tpu.memory_space<semaphore_mem>>)
      %dma_wait3A = arith.constant 0 : i32
      %dma_wait3A_11 = tpu.memref_slice %arg6[%mul3A_0, %dma_wait3A] : memref<10112x128xf32, #tpu.memory_space<vmem_shared>> -> memref<632x128xf32, #tpu.memory_space<vmem_shared>>
      tpu.wait_dma2 semaphore(%run_scoped3A : memref<!tpu.dma_semaphore, #tpu.memory_space<semaphore_mem>>) src(%arg4 : memref<632x128xf32, #tpu.memory_space<hbm>>) dst(%dma_wait3A_11 : memref<632x128xf32, #tpu.memory_space<vmem_shared>>)
      tpu.yield
    }) : () -> ()
    %barrier3A = arith.constant 0 : index
    tpu.barrier barrier_id(%barrier3A)
    %scan3A = arith.constant 0 : i32
    %scan3A_1 = arith.constant 79 : i32
    %scan3A_2 = arith.addi %scan3A, %scan3A_1 : i32
    %scan3A_3 = arith.constant 1 : i32
    scf.for %scan3A_10 = %scan3A to %scan3A_2 step %scan3A_3  : i32 {
      %mul3A_11 = arith.constant 1 : i32
      %mul3A_12 = arith.muli %scan3A_10, %mul3A_11 : i32
      %add3A = arith.constant 0 : i32
      %add3A_13 = arith.addi %add3A, %mul3A_12 : i32
      %mul3A_14 = arith.constant 2 : i32
      %mul3A_15 = arith.muli %add3A_13, %mul3A_14 : i32
      "tpu.region"() ({
        %run_scoped3A_45 = tpu.sem_alloc : memref<!tpu.dma_semaphore, #tpu.memory_space<semaphore_mem>>
        %dma_start3A_46 = arith.constant 0 : i32
        %dma_start3A_47 = arith.constant 0 : i32
        %dma_start3A_48 = tpu.memref_slice %arg3[%arg0, %arg1, %mul3A_15, %dma_start3A_46, %dma_start3A_47] : memref<2x16x158x2x128xi32, #tpu.memory_space<hbm>> -> memref<1x1x1x2x128xi32, #tpu.memory_space<hbm>>
        %dma_start3A_49 = tpu.memref_squeeze %dma_start3A_48 : memref<1x1x1x2x128xi32, #tpu.memory_space<hbm>> -> memref<2x128xi32, #tpu.memory_space<hbm>>
        %dma_start3A_50 = arith.constant 0 : i32
        %dma_start3A_51 = arith.constant 0 : i32
        %dma_start3A_52 = tpu.memref_slice %arg3[%arg0, %arg1, %mul3A_15, %dma_start3A_50, %dma_start3A_51] : memref<2x16x158x2x128xi32, #tpu.memory_space<hbm>> -> memref<1x1x1x2x128xi32, #tpu.memory_space<hbm>>
        %dma_start3A_53 = tpu.memref_squeeze %dma_start3A_52 : memref<1x1x1x2x128xi32, #tpu.memory_space<hbm>> -> memref<2x128xi32, #tpu.memory_space<hbm>>
        tpu.enqueue_dma source(%dma_start3A_53 : memref<2x128xi32, #tpu.memory_space<hbm>>) target(%arg7 : memref<2x128xi32, #tpu.memory_space<vmem>>) target_semaphore(%run_scoped3A_45 : memref<!tpu.dma_semaphore, #tpu.memory_space<semaphore_mem>>)
        %dma_wait3A_54 = arith.constant 0 : i32
        %dma_wait3A_55 = arith.constant 0 : i32
        %dma_wait3A_56 = tpu.memref_slice %arg3[%arg0, %arg1, %mul3A_15, %dma_wait3A_54, %dma_wait3A_55] : memref<2x16x158x2x128xi32, #tpu.memory_space<hbm>> -> memref<1x1x1x2x128xi32, #tpu.memory_space<hbm>>
        %dma_wait3A_57 = tpu.memref_squeeze %dma_wait3A_56 : memref<1x1x1x2x128xi32, #tpu.memory_space<hbm>> -> memref<2x128xi32, #tpu.memory_space<hbm>>
        %dma_wait3A_58 = arith.constant 0 : i32
        %dma_wait3A_59 = arith.constant 0 : i32
        %dma_wait3A_60 = tpu.memref_slice %arg3[%arg0, %arg1, %mul3A_15, %dma_wait3A_58, %dma_wait3A_59] : memref<2x16x158x2x128xi32, #tpu.memory_space<hbm>> -> memref<1x1x1x2x128xi32, #tpu.memory_space<hbm>>
        %dma_wait3A_61 = tpu.memref_squeeze %dma_wait3A_60 : memref<1x1x1x2x128xi32, #tpu.memory_space<hbm>> -> memref<2x128xi32, #tpu.memory_space<hbm>>
        tpu.wait_dma2 semaphore(%run_scoped3A_45 : memref<!tpu.dma_semaphore, #tpu.memory_space<semaphore_mem>>) src(%dma_wait3A_61 : memref<2x128xi32, #tpu.memory_space<hbm>>) dst(%arg7 : memref<2x128xi32, #tpu.memory_space<vmem>>)
        tpu.yield
      }) : () -> ()
      %dma_start3A = arith.constant 0 : i32
      %dma_start3A_16 = arith.constant 0 : i32
      %dma_start3A_17 = tpu.memref_slice %arg7[%dma_start3A, %dma_start3A_16] : memref<2x128xi32, #tpu.memory_space<vmem>> -> memref<1x128xi32, #tpu.memory_space<vmem>>
      %dma_start3A_18 = tpu.memref_squeeze %dma_start3A_17 : memref<1x128xi32, #tpu.memory_space<vmem>> -> memref<128xi32, #tpu.memory_space<vmem>>
      %dma_start3A_19 = arith.constant 0 : i32
      %dma_start3A_20 = arith.constant 0 : i32
      %dma_start3A_21 = tpu.memref_slice %arg2[%dma_start3A_19, %dma_start3A_20] : memref<20000x128xf32, #tpu.memory_space<hbm>> -> memref<20000x128xf32, #tpu.memory_space<hbm>>
      tpu.enqueue_indirect_dma source(%dma_start3A_21 : memref<20000x128xf32, #tpu.memory_space<hbm>>) target(%arg9 : memref<128x128xf32, #tpu.memory_space<vmem>>) offsets(%dma_start3A_18 : memref<128xi32, #tpu.memory_space<vmem>>) semaphore(%arg11 : memref<!tpu.dma_semaphore, #tpu.memory_space<semaphore_mem>>)
      %add3A_22 = arith.constant 1 : i32
      %add3A_23 = arith.addi %mul3A_15, %add3A_22 : i32
      "tpu.region"() ({
        %run_scoped3A_45 = tpu.sem_alloc : memref<!tpu.dma_semaphore, #tpu.memory_space<semaphore_mem>>
        %dma_start3A_46 = arith.constant 0 : i32
        %dma_start3A_47 = arith.constant 0 : i32
        %dma_start3A_48 = tpu.memref_slice %arg3[%arg0, %arg1, %add3A_23, %dma_start3A_46, %dma_start3A_47] : memref<2x16x158x2x128xi32, #tpu.memory_space<hbm>> -> memref<1x1x1x2x128xi32, #tpu.memory_space<hbm>>
        %dma_start3A_49 = tpu.memref_squeeze %dma_start3A_48 : memref<1x1x1x2x128xi32, #tpu.memory_space<hbm>> -> memref<2x128xi32, #tpu.memory_space<hbm>>
        %dma_start3A_50 = arith.constant 0 : i32
        %dma_start3A_51 = arith.constant 0 : i32
        %dma_start3A_52 = tpu.memref_slice %arg3[%arg0, %arg1, %add3A_23, %dma_start3A_50, %dma_start3A_51] : memref<2x16x158x2x128xi32, #tpu.memory_space<hbm>> -> memref<1x1x1x2x128xi32, #tpu.memory_space<hbm>>
        %dma_start3A_53 = tpu.memref_squeeze %dma_start3A_52 : memref<1x1x1x2x128xi32, #tpu.memory_space<hbm>> -> memref<2x128xi32, #tpu.memory_space<hbm>>
        tpu.enqueue_dma source(%dma_start3A_53 : memref<2x128xi32, #tpu.memory_space<hbm>>) target(%arg8 : memref<2x128xi32, #tpu.memory_space<vmem>>) target_semaphore(%run_scoped3A_45 : memref<!tpu.dma_semaphore, #tpu.memory_space<semaphore_mem>>)
        %dma_wait3A_54 = arith.constant 0 : i32
        %dma_wait3A_55 = arith.constant 0 : i32
        %dma_wait3A_56 = tpu.memref_slice %arg3[%arg0, %arg1, %add3A_23, %dma_wait3A_54, %dma_wait3A_55] : memref<2x16x158x2x128xi32, #tpu.memory_space<hbm>> -> memref<1x1x1x2x128xi32, #tpu.memory_space<hbm>>
        %dma_wait3A_57 = tpu.memref_squeeze %dma_wait3A_56 : memref<1x1x1x2x128xi32, #tpu.memory_space<hbm>> -> memref<2x128xi32, #tpu.memory_space<hbm>>
        %dma_wait3A_58 = arith.constant 0 : i32
        %dma_wait3A_59 = arith.constant 0 : i32
        %dma_wait3A_60 = tpu.memref_slice %arg3[%arg0, %arg1, %add3A_23, %dma_wait3A_58, %dma_wait3A_59] : memref<2x16x158x2x128xi32, #tpu.memory_space<hbm>> -> memref<1x1x1x2x128xi32, #tpu.memory_space<hbm>>
        %dma_wait3A_61 = tpu.memref_squeeze %dma_wait3A_60 : memref<1x1x1x2x128xi32, #tpu.memory_space<hbm>> -> memref<2x128xi32, #tpu.memory_space<hbm>>
        tpu.wait_dma2 semaphore(%run_scoped3A_45 : memref<!tpu.dma_semaphore, #tpu.memory_space<semaphore_mem>>) src(%dma_wait3A_61 : memref<2x128xi32, #tpu.memory_space<hbm>>) dst(%arg8 : memref<2x128xi32, #tpu.memory_space<vmem>>)
        tpu.yield
      }) : () -> ()
      %dma_start3A_24 = arith.constant 0 : i32
      %dma_start3A_25 = arith.constant 0 : i32
      %dma_start3A_26 = tpu.memref_slice %arg8[%dma_start3A_24, %dma_start3A_25] : memref<2x128xi32, #tpu.memory_space<vmem>> -> memref<1x128xi32, #tpu.memory_space<vmem>>
      %dma_start3A_27 = tpu.memref_squeeze %dma_start3A_26 : memref<1x128xi32, #tpu.memory_space<vmem>> -> memref<128xi32, #tpu.memory_space<vmem>>
      %dma_start3A_28 = arith.constant 0 : i32
      %dma_start3A_29 = arith.constant 0 : i32
      %dma_start3A_30 = tpu.memref_slice %arg2[%dma_start3A_28, %dma_start3A_29] : memref<20000x128xf32, #tpu.memory_space<hbm>> -> memref<20000x128xf32, #tpu.memory_space<hbm>>
      tpu.enqueue_indirect_dma source(%dma_start3A_30 : memref<20000x128xf32, #tpu.memory_space<hbm>>) target(%arg10 : memref<128x128xf32, #tpu.memory_space<vmem>>) offsets(%dma_start3A_27 : memref<128xi32, #tpu.memory_space<vmem>>) semaphore(%arg12 : memref<!tpu.dma_semaphore, #tpu.memory_space<semaphore_mem>>)
      %dma_wait3A = arith.constant 0 : i32
      %dma_wait3A_31 = arith.constant 0 : i32
      %dma_wait3A_32 = tpu.memref_slice %arg7[%dma_wait3A, %dma_wait3A_31] : memref<2x128xi32, #tpu.memory_space<vmem>> -> memref<1x128xi32, #tpu.memory_space<vmem>>
      %dma_wait3A_33 = tpu.memref_squeeze %dma_wait3A_32 : memref<1x128xi32, #tpu.memory_space<vmem>> -> memref<128xi32, #tpu.memory_space<vmem>>
      %dma_wait3A_34 = arith.constant 0 : i32
      %dma_wait3A_35 = arith.constant 0 : i32
      %dma_wait3A_36 = tpu.memref_slice %arg2[%dma_wait3A_34, %dma_wait3A_35] : memref<20000x128xf32, #tpu.memory_space<hbm>> -> memref<20000x128xf32, #tpu.memory_space<hbm>>
      tpu.wait_indirect_dma semaphore(%arg11 : memref<!tpu.dma_semaphore, #tpu.memory_space<semaphore_mem>>) src(%dma_wait3A_36 : memref<20000x128xf32, #tpu.memory_space<hbm>>) dst(%arg9 : memref<128x128xf32, #tpu.memory_space<vmem>>)
      %run_scoped3A = arith.constant 1 : i32
      "tpu.region"() ({
        %run_scoped3A_45 = tpu.sem_alloc : memref<!tpu.dma_semaphore, #tpu.memory_space<semaphore_mem>>
        %dma_start3A_46 = arith.constant 0 : i32
        %dma_start3A_47 = tpu.memref_slice %arg7[%run_scoped3A, %dma_start3A_46] : memref<2x128xi32, #tpu.memory_space<vmem>> -> memref<1x128xi32, #tpu.memory_space<vmem>>
        %dma_start3A_48 = tpu.memref_squeeze %dma_start3A_47 : memref<1x128xi32, #tpu.memory_space<vmem>> -> memref<128xi32, #tpu.memory_space<vmem>>
        %dma_start3A_49 = arith.constant 0 : i32
        %dma_start3A_50 = arith.constant 0 : i32
        %dma_start3A_51 = tpu.memref_slice %arg6[%dma_start3A_49, %dma_start3A_50] : memref<10112x128xf32, #tpu.memory_space<vmem_shared>> -> memref<10112x128xf32, #tpu.memory_space<vmem_shared>>
        tpu.enqueue_indirect_dma source(%arg9 : memref<128x128xf32, #tpu.memory_space<vmem>>) target(%dma_start3A_51 : memref<10112x128xf32, #tpu.memory_space<vmem_shared>>) offsets(%dma_start3A_48 : memref<128xi32, #tpu.memory_space<vmem>>) semaphore(%run_scoped3A_45 : memref<!tpu.dma_semaphore, #tpu.memory_space<semaphore_mem>>) {add = true}
        %dma_wait3A_52 = arith.constant 0 : i32
        %dma_wait3A_53 = tpu.memref_slice %arg7[%run_scoped3A, %dma_wait3A_52] : memref<2x128xi32, #tpu.memory_space<vmem>> -> memref<1x128xi32, #tpu.memory_space<vmem>>
        %dma_wait3A_54 = tpu.memref_squeeze %dma_wait3A_53 : memref<1x128xi32, #tpu.memory_space<vmem>> -> memref<128xi32, #tpu.memory_space<vmem>>
        %dma_wait3A_55 = arith.constant 0 : i32
        %dma_wait3A_56 = arith.constant 0 : i32
        %dma_wait3A_57 = tpu.memref_slice %arg6[%dma_wait3A_55, %dma_wait3A_56] : memref<10112x128xf32, #tpu.memory_space<vmem_shared>> -> memref<10112x128xf32, #tpu.memory_space<vmem_shared>>
        tpu.wait_indirect_dma semaphore(%run_scoped3A_45 : memref<!tpu.dma_semaphore, #tpu.memory_space<semaphore_mem>>) src(%arg9 : memref<128x128xf32, #tpu.memory_space<vmem>>) dst(%dma_wait3A_57 : memref<10112x128xf32, #tpu.memory_space<vmem_shared>>)
        tpu.yield
      }) : () -> ()
      %dma_wait3A_37 = arith.constant 0 : i32
      %dma_wait3A_38 = arith.constant 0 : i32
      %dma_wait3A_39 = tpu.memref_slice %arg8[%dma_wait3A_37, %dma_wait3A_38] : memref<2x128xi32, #tpu.memory_space<vmem>> -> memref<1x128xi32, #tpu.memory_space<vmem>>
      %dma_wait3A_40 = tpu.memref_squeeze %dma_wait3A_39 : memref<1x128xi32, #tpu.memory_space<vmem>> -> memref<128xi32, #tpu.memory_space<vmem>>
      %dma_wait3A_41 = arith.constant 0 : i32
      %dma_wait3A_42 = arith.constant 0 : i32
      %dma_wait3A_43 = tpu.memref_slice %arg2[%dma_wait3A_41, %dma_wait3A_42] : memref<20000x128xf32, #tpu.memory_space<hbm>> -> memref<20000x128xf32, #tpu.memory_space<hbm>>
      tpu.wait_indirect_dma semaphore(%arg12 : memref<!tpu.dma_semaphore, #tpu.memory_space<semaphore_mem>>) src(%dma_wait3A_43 : memref<20000x128xf32, #tpu.memory_space<hbm>>) dst(%arg10 : memref<128x128xf32, #tpu.memory_space<vmem>>)
      %run_scoped3A_44 = arith.constant 1 : i32
      "tpu.region"() ({
        %run_scoped3A_45 = tpu.sem_alloc : memref<!tpu.dma_semaphore, #tpu.memory_space<semaphore_mem>>
        %dma_start3A_46 = arith.constant 0 : i32
        %dma_start3A_47 = tpu.memref_slice %arg8[%run_scoped3A_44, %dma_start3A_46] : memref<2x128xi32, #tpu.memory_space<vmem>> -> memref<1x128xi32, #tpu.memory_space<vmem>>
        %dma_start3A_48 = tpu.memref_squeeze %dma_start3A_47 : memref<1x128xi32, #tpu.memory_space<vmem>> -> memref<128xi32, #tpu.memory_space<vmem>>
        %dma_start3A_49 = arith.constant 0 : i32
        %dma_start3A_50 = arith.constant 0 : i32
        %dma_start3A_51 = tpu.memref_slice %arg6[%dma_start3A_49, %dma_start3A_50] : memref<10112x128xf32, #tpu.memory_space<vmem_shared>> -> memref<10112x128xf32, #tpu.memory_space<vmem_shared>>
        tpu.enqueue_indirect_dma source(%arg10 : memref<128x128xf32, #tpu.memory_space<vmem>>) target(%dma_start3A_51 : memref<10112x128xf32, #tpu.memory_space<vmem_shared>>) offsets(%dma_start3A_48 : memref<128xi32, #tpu.memory_space<vmem>>) semaphore(%run_scoped3A_45 : memref<!tpu.dma_semaphore, #tpu.memory_space<semaphore_mem>>) {add = true}
        %dma_wait3A_52 = arith.constant 0 : i32
        %dma_wait3A_53 = tpu.memref_slice %arg8[%run_scoped3A_44, %dma_wait3A_52] : memref<2x128xi32, #tpu.memory_space<vmem>> -> memref<1x128xi32, #tpu.memory_space<vmem>>
        %dma_wait3A_54 = tpu.memref_squeeze %dma_wait3A_53 : memref<1x128xi32, #tpu.memory_space<vmem>> -> memref<128xi32, #tpu.memory_space<vmem>>
        %dma_wait3A_55 = arith.constant 0 : i32
        %dma_wait3A_56 = arith.constant 0 : i32
        %dma_wait3A_57 = tpu.memref_slice %arg6[%dma_wait3A_55, %dma_wait3A_56] : memref<10112x128xf32, #tpu.memory_space<vmem_shared>> -> memref<10112x128xf32, #tpu.memory_space<vmem_shared>>
        tpu.wait_indirect_dma semaphore(%run_scoped3A_45 : memref<!tpu.dma_semaphore, #tpu.memory_space<semaphore_mem>>) src(%arg10 : memref<128x128xf32, #tpu.memory_space<vmem>>) dst(%dma_wait3A_57 : memref<10112x128xf32, #tpu.memory_space<vmem_shared>>)
        tpu.yield
      }) : () -> ()
    }
    %scan3A_4 = arith.constant 79 : i32
    %barrier3A_5 = arith.constant 0 : index
    tpu.barrier barrier_id(%barrier3A_5)
    %mul3A_6 = arith.constant 632 : i32
    %mul3A_7 = arith.muli %arg1, %mul3A_6 : i32
    %mul3A_8 = arith.constant 632 : i32
    %mul3A_9 = arith.muli %arg1, %mul3A_8 : i32
    "tpu.region"() ({
      %run_scoped3A = tpu.sem_alloc : memref<!tpu.dma_semaphore, #tpu.memory_space<semaphore_mem>>
      %dma_start3A = arith.constant 0 : i32
      %dma_start3A_10 = tpu.memref_slice %arg5[%arg0, %mul3A_9, %dma_start3A] : memref<2x10112x128xf32, #tpu.memory_space<hbm>> -> memref<1x632x128xf32, #tpu.memory_space<hbm>>
      %dma_start3A_11 = tpu.memref_squeeze %dma_start3A_10 : memref<1x632x128xf32, #tpu.memory_space<hbm>> -> memref<632x128xf32, #tpu.memory_space<hbm>>
      %dma_start3A_12 = arith.constant 0 : i32
      %dma_start3A_13 = tpu.memref_slice %arg6[%mul3A_7, %dma_start3A_12] : memref<10112x128xf32, #tpu.memory_space<vmem_shared>> -> memref<632x128xf32, #tpu.memory_space<vmem_shared>>
      tpu.enqueue_dma source(%dma_start3A_13 : memref<632x128xf32, #tpu.memory_space<vmem_shared>>) target(%dma_start3A_11 : memref<632x128xf32, #tpu.memory_space<hbm>>) target_semaphore(%run_scoped3A : memref<!tpu.dma_semaphore, #tpu.memory_space<semaphore_mem>>)
      %dma_wait3A = arith.constant 0 : i32
      %dma_wait3A_14 = tpu.memref_slice %arg5[%arg0, %mul3A_9, %dma_wait3A] : memref<2x10112x128xf32, #tpu.memory_space<hbm>> -> memref<1x632x128xf32, #tpu.memory_space<hbm>>
      %dma_wait3A_15 = tpu.memref_squeeze %dma_wait3A_14 : memref<1x632x128xf32, #tpu.memory_space<hbm>> -> memref<632x128xf32, #tpu.memory_space<hbm>>
      %dma_wait3A_16 = arith.constant 0 : i32
      %dma_wait3A_17 = tpu.memref_slice %arg6[%mul3A_7, %dma_wait3A_16] : memref<10112x128xf32, #tpu.memory_space<vmem_shared>> -> memref<632x128xf32, #tpu.memory_space<vmem_shared>>
      tpu.wait_dma2 semaphore(%run_scoped3A : memref<!tpu.dma_semaphore, #tpu.memory_space<semaphore_mem>>) src(%dma_wait3A_17 : memref<632x128xf32, #tpu.memory_space<vmem_shared>>) dst(%dma_wait3A_15 : memref<632x128xf32, #tpu.memory_space<hbm>>)
      tpu.yield
    }) : () -> ()
    return
  }
}

module attributes {stable_mosaic.version = 14 : i64} {
  func.func @_pre_body(%arg0: i32, %arg1: memref<1000x128xf32, #tpu.memory_space<vmem>>, %arg2: memref<1000x128xf32, #tpu.memory_space<vmem>>, %arg3: memref<128x128xf32, #tpu.memory_space<vmem>>, %arg4: memref<1x128xf32, #tpu.memory_space<vmem>>, %arg5: memref<2x1000x128xf32, #tpu.memory_space<vmem>>) attributes {dimension_semantics = [#tpu.dimension_semantics<arbitrary>], iteration_bounds = array<i64: 10>, scalar_prefetch = 0 : i64, scratch_operands = 0 : i64, tpu.core_type = #tpu.core_type<tc>, window_params = [{transform_indices = @transform_0, window_bounds = array<i64: 1000, 128>}, {transform_indices = @transform_1, window_bounds = array<i64: 1000, 128>}, {pipeline_mode = #tpu.pipeline_mode<synchronous>, transform_indices = @transform_2, window_bounds = array<i64: 128, 128>}, {pipeline_mode = #tpu.pipeline_mode<synchronous>, transform_indices = @transform_3, window_bounds = array<i64: 1, 128>}, {transform_indices = @transform_4, window_bounds = array<i64: 2, 1000, 128>}]} {
    %get3A = arith.constant 0 : index
    %get3A_0 = arith.constant 0 : index
    %get3A_1 = vector.load %arg1[%get3A, %get3A_0] : memref<1000x128xf32, #tpu.memory_space<vmem>>, vector<1000x128xf32>
    %get3A_2 = arith.constant 0 : index
    %get3A_3 = arith.constant 0 : index
    %get3A_4 = vector.load %arg3[%get3A_2, %get3A_3] : memref<128x128xf32, #tpu.memory_space<vmem>>, vector<128x128xf32>
    %dot_general3A = arith.constant dense<0.000000e+00> : vector<1000x128xf32>
    %dot_general3A_5 = tpu.matmul %get3A_1, %get3A_4, %dot_general3A {dimension_numbers = #tpu.dot_dimension_numbers<[1], [1], [0], [0], [0, 0, 1, 0], [], []>, transpose_lhs_hint = false} : vector<1000x128xf32>, vector<128x128xf32>, vector<1000x128xf32> -> vector<1000x128xf32>
    %get3A_6 = arith.constant 0 : index
    %get3A_7 = arith.constant 0 : index
    %get3A_8 = vector.load %arg4[%get3A_6, %get3A_7] : memref<1x128xf32, #tpu.memory_space<vmem>>, vector<1x128xf32>
    %add3A = vector.broadcast %get3A_8 : vector<1x128xf32> to vector<1000x128xf32>
    %add3A_9 = arith.addf %dot_general3A_5, %add3A : vector<1000x128xf32>
    %logistic3A = arith.negf %add3A_9 : vector<1000x128xf32>
    %logistic3A_10 = math.exp %logistic3A : vector<1000x128xf32>
    %logistic3A_11 = arith.constant 1.000000e+00 : f32
    %logistic3A_12 = vector.broadcast %logistic3A_11 : f32 to vector<1000x128xf32>
    %logistic3A_13 = arith.addf %logistic3A_12, %logistic3A_10 : vector<1000x128xf32>
    %logistic3A_14 = arith.divf %logistic3A_12, %logistic3A_13 : vector<1000x128xf32>
    %get3A_15 = arith.constant 0 : index
    %get3A_16 = arith.constant 0 : index
    %get3A_17 = vector.load %arg2[%get3A_15, %get3A_16] : memref<1000x128xf32, #tpu.memory_space<vmem>>, vector<1000x128xf32>
    %mul3A = arith.mulf %logistic3A_14, %get3A_17 : vector<1000x128xf32>
    %slice3A = vector.extract_strided_slice %get3A_1 {offsets = [0, 0], sizes = [1000, 64], strides = [1, 1]} : vector<1000x128xf32> to vector<1000x64xf32>
    %swap3A = arith.constant 0 : index
    %swap3A_18 = arith.constant 0 : index
    %swap3A_19 = arith.constant 0 : index
    %swap3A_20 = vector.load %arg5[%swap3A, %swap3A_18, %swap3A_19] : memref<2x1000x128xf32, #tpu.memory_space<vmem>>, vector<1x1000x64xf32>
    %swap3A_21 = vector.shape_cast %swap3A_20 : vector<1x1000x64xf32> to vector<1000x64xf32>
    %swap3A_22 = vector.shape_cast %slice3A : vector<1000x64xf32> to vector<1x1000x64xf32>
    tpu.vector_store %arg5[%swap3A, %swap3A_18, %swap3A_19], %swap3A_22 {strides = array<i32>} : memref<2x1000x128xf32, #tpu.memory_space<vmem>>, vector<1x1000x64xf32>,
    %slice3A_23 = vector.extract_strided_slice %mul3A {offsets = [0, 0], sizes = [1000, 64], strides = [1, 1]} : vector<1000x128xf32> to vector<1000x64xf32>
    %swap3A_24 = arith.constant 0 : index
    %swap3A_25 = arith.constant 0 : index
    %swap3A_26 = arith.constant 64 : index
    %swap3A_27 = vector.load %arg5[%swap3A_24, %swap3A_25, %swap3A_26] : memref<2x1000x128xf32, #tpu.memory_space<vmem>>, vector<1x1000x64xf32>
    %swap3A_28 = vector.shape_cast %swap3A_27 : vector<1x1000x64xf32> to vector<1000x64xf32>
    %swap3A_29 = vector.shape_cast %slice3A_23 : vector<1000x64xf32> to vector<1x1000x64xf32>
    tpu.vector_store %arg5[%swap3A_24, %swap3A_25, %swap3A_26], %swap3A_29 {strides = array<i32>} : memref<2x1000x128xf32, #tpu.memory_space<vmem>>, vector<1x1000x64xf32>,
    %slice3A_30 = vector.extract_strided_slice %get3A_1 {offsets = [0, 64], sizes = [1000, 64], strides = [1, 1]} : vector<1000x128xf32> to vector<1000x64xf32>
    %swap3A_31 = arith.constant 1 : index
    %swap3A_32 = arith.constant 0 : index
    %swap3A_33 = arith.constant 0 : index
    %swap3A_34 = vector.load %arg5[%swap3A_31, %swap3A_32, %swap3A_33] : memref<2x1000x128xf32, #tpu.memory_space<vmem>>, vector<1x1000x64xf32>
    %swap3A_35 = vector.shape_cast %swap3A_34 : vector<1x1000x64xf32> to vector<1000x64xf32>
    %swap3A_36 = vector.shape_cast %slice3A_30 : vector<1000x64xf32> to vector<1x1000x64xf32>
    tpu.vector_store %arg5[%swap3A_31, %swap3A_32, %swap3A_33], %swap3A_36 {strides = array<i32>} : memref<2x1000x128xf32, #tpu.memory_space<vmem>>, vector<1x1000x64xf32>,
    %slice3A_37 = vector.extract_strided_slice %mul3A {offsets = [0, 64], sizes = [1000, 64], strides = [1, 1]} : vector<1000x128xf32> to vector<1000x64xf32>
    %swap3A_38 = arith.constant 1 : index
    %swap3A_39 = arith.constant 0 : index
    %swap3A_40 = arith.constant 64 : index
    %swap3A_41 = vector.load %arg5[%swap3A_38, %swap3A_39, %swap3A_40] : memref<2x1000x128xf32, #tpu.memory_space<vmem>>, vector<1x1000x64xf32>
    %swap3A_42 = vector.shape_cast %swap3A_41 : vector<1x1000x64xf32> to vector<1000x64xf32>
    %swap3A_43 = vector.shape_cast %slice3A_37 : vector<1000x64xf32> to vector<1x1000x64xf32>
    tpu.vector_store %arg5[%swap3A_38, %swap3A_39, %swap3A_40], %swap3A_43 {strides = array<i32>} : memref<2x1000x128xf32, #tpu.memory_space<vmem>>, vector<1x1000x64xf32>,
    return
  }
  func.func @transform_0(%arg0: i32) -> (i32, i32) {
    %c0_i32 = arith.constant 0 : i32
    %c0_i32_0 = arith.constant 0 : i32
    return %arg0, %c0_i32 : i32, i32
  }
  func.func @transform_1(%arg0: i32) -> (i32, i32) {
    %c0_i32 = arith.constant 0 : i32
    %c0_i32_0 = arith.constant 0 : i32
    return %arg0, %c0_i32 : i32, i32
  }
  func.func @transform_2(%arg0: i32) -> (i32, i32) {
    %c0_i32 = arith.constant 0 : i32
    %c0_i32_0 = arith.constant 0 : i32
    %c0_i32_1 = arith.constant 0 : i32
    return %c0_i32, %c0_i32_0 : i32, i32
  }
  func.func @transform_3(%arg0: i32) -> (i32, i32) {
    %c0_i32 = arith.constant 0 : i32
    %c0_i32_0 = arith.constant 0 : i32
    %c0_i32_1 = arith.constant 0 : i32
    return %c0_i32, %c0_i32_0 : i32, i32
  }
  func.func @transform_4(%arg0: i32) -> (i32, i32, i32) {
    %c0_i32 = arith.constant 0 : i32
    %c0_i32_0 = arith.constant 0 : i32
    %c0_i32_1 = arith.constant 0 : i32
    return %c0_i32, %arg0, %c0_i32_0 : i32, i32, i32
  }
}

module attributes {stable_mosaic.version = 14 : i64} {
  func.func @_post_body(%arg0: i32, %arg1: memref<1000x128xf32, #tpu.memory_space<vmem>>, %arg2: memref<2x1000x128xf32, #tpu.memory_space<vmem>>, %arg3: memref<384x128xf32, #tpu.memory_space<vmem>>, %arg4: memref<384x128xf32, #tpu.memory_space<vmem>>, %arg5: memref<1x384xf32, #tpu.memory_space<vmem>>, %arg6: memref<1000x128xf32, #tpu.memory_space<vmem>>, %arg7: memref<1000x128xf32, #tpu.memory_space<vmem>>) attributes {dimension_semantics = [#tpu.dimension_semantics<arbitrary>], iteration_bounds = array<i64: 10>, scalar_prefetch = 0 : i64, scratch_operands = 0 : i64, tpu.core_type = #tpu.core_type<tc>, window_params = [{transform_indices = @transform_0, window_bounds = array<i64: 1000, 128>}, {transform_indices = @transform_1, window_bounds = array<i64: 2, 1000, 128>}, {pipeline_mode = #tpu.pipeline_mode<synchronous>, transform_indices = @transform_2, window_bounds = array<i64: 384, 128>}, {pipeline_mode = #tpu.pipeline_mode<synchronous>, transform_indices = @transform_3, window_bounds = array<i64: 384, 128>}, {pipeline_mode = #tpu.pipeline_mode<synchronous>, transform_indices = @transform_4, window_bounds = array<i64: 1, 384>}, {transform_indices = @transform_5, window_bounds = array<i64: 1000, 128>}, {transform_indices = @transform_6, window_bounds = array<i64: 1000, 128>}]} {
    %get3A = arith.constant 0 : index
    %get3A_0 = arith.constant 0 : index
    %get3A_1 = arith.constant 0 : index
    %get3A_2 = vector.load %arg2[%get3A, %get3A_0, %get3A_1] : memref<2x1000x128xf32, #tpu.memory_space<vmem>>, vector<1x1000x64xf32>
    %get3A_3 = vector.shape_cast %get3A_2 : vector<1x1000x64xf32> to vector<1000x64xf32>
    %get3A_4 = arith.constant 1 : index
    %get3A_5 = arith.constant 0 : index
    %get3A_6 = arith.constant 0 : index
    %get3A_7 = vector.load %arg2[%get3A_4, %get3A_5, %get3A_6] : memref<2x1000x128xf32, #tpu.memory_space<vmem>>, vector<1x1000x64xf32>
    %get3A_8 = vector.shape_cast %get3A_7 : vector<1x1000x64xf32> to vector<1000x64xf32>
    %concatenate3A = tpu.concatenate %get3A_3, %get3A_8 in 1 : vector<1000x64xf32>, vector<1000x64xf32> -> vector<1000x128xf32>
    %get3A_9 = arith.constant 0 : index
    %get3A_10 = arith.constant 0 : index
    %get3A_11 = arith.constant 64 : index
    %get3A_12 = vector.load %arg2[%get3A_9, %get3A_10, %get3A_11] : memref<2x1000x128xf32, #tpu.memory_space<vmem>>, vector<1x1000x64xf32>
    %get3A_13 = vector.shape_cast %get3A_12 : vector<1x1000x64xf32> to vector<1000x64xf32>
    %get3A_14 = arith.constant 1 : index
    %get3A_15 = arith.constant 0 : index
    %get3A_16 = arith.constant 64 : index
    %get3A_17 = vector.load %arg2[%get3A_14, %get3A_15, %get3A_16] : memref<2x1000x128xf32, #tpu.memory_space<vmem>>, vector<1x1000x64xf32>
    %get3A_18 = vector.shape_cast %get3A_17 : vector<1x1000x64xf32> to vector<1000x64xf32>
    %concatenate3A_19 = tpu.concatenate %get3A_13, %get3A_18 in 1 : vector<1000x64xf32>, vector<1000x64xf32> -> vector<1000x128xf32>
    %get3A_20 = arith.constant 0 : index
    %get3A_21 = arith.constant 0 : index
    %get3A_22 = vector.load %arg1[%get3A_20, %get3A_21] : memref<1000x128xf32, #tpu.memory_space<vmem>>, vector<1000x128xf32>
    %get3A_23 = arith.constant 0 : index
    %get3A_24 = arith.constant 0 : index
    %get3A_25 = vector.load %arg3[%get3A_23, %get3A_24] : memref<384x128xf32, #tpu.memory_space<vmem>>, vector<384x128xf32>
    %dot_general3A = arith.constant dense<0.000000e+00> : vector<1000x384xf32>
    %dot_general3A_26 = tpu.matmul %get3A_22, %get3A_25, %dot_general3A {dimension_numbers = #tpu.dot_dimension_numbers<[1], [1], [0], [0], [0, 0, 1, 0], [], []>, transpose_lhs_hint = false} : vector<1000x128xf32>, vector<384x128xf32>, vector<1000x384xf32> -> vector<1000x384xf32>
    %get3A_27 = arith.constant 0 : index
    %get3A_28 = arith.constant 0 : index
    %get3A_29 = vector.load %arg4[%get3A_27, %get3A_28] : memref<384x128xf32, #tpu.memory_space<vmem>>, vector<384x128xf32>
    %dot_general3A_30 = arith.constant dense<0.000000e+00> : vector<1000x384xf32>
    %dot_general3A_31 = tpu.matmul %concatenate3A, %get3A_29, %dot_general3A_30 {dimension_numbers = #tpu.dot_dimension_numbers<[1], [1], [0], [0], [0, 0, 1, 0], [], []>, transpose_lhs_hint = false} : vector<1000x128xf32>, vector<384x128xf32>, vector<1000x384xf32> -> vector<1000x384xf32>
    %add3A = arith.addf %dot_general3A_26, %dot_general3A_31 : vector<1000x384xf32>
    %get3A_32 = arith.constant 0 : index
    %get3A_33 = arith.constant 0 : index
    %get3A_34 = vector.load %arg5[%get3A_32, %get3A_33] : memref<1x384xf32, #tpu.memory_space<vmem>>, vector<1x384xf32>
    %add3A_35 = vector.broadcast %get3A_34 : vector<1x384xf32> to vector<1000x384xf32>
    %add3A_36 = arith.addf %add3A, %add3A_35 : vector<1000x384xf32>
    %slice3A = vector.extract_strided_slice %add3A_36 {offsets = [0, 0], sizes = [1000, 128], strides = [1, 1]} : vector<1000x384xf32> to vector<1000x128xf32>
    %logistic3A = arith.negf %slice3A : vector<1000x128xf32>
    %logistic3A_37 = math.exp %logistic3A : vector<1000x128xf32>
    %logistic3A_38 = arith.constant 1.000000e+00 : f32
    %logistic3A_39 = vector.broadcast %logistic3A_38 : f32 to vector<1000x128xf32>
    %logistic3A_40 = arith.addf %logistic3A_39, %logistic3A_37 : vector<1000x128xf32>
    %logistic3A_41 = arith.divf %logistic3A_39, %logistic3A_40 : vector<1000x128xf32>
    %slice3A_42 = vector.extract_strided_slice %add3A_36 {offsets = [0, 128], sizes = [1000, 128], strides = [1, 1]} : vector<1000x384xf32> to vector<1000x128xf32>
    %logistic3A_43 = arith.negf %slice3A_42 : vector<1000x128xf32>
    %logistic3A_44 = math.exp %logistic3A_43 : vector<1000x128xf32>
    %logistic3A_45 = arith.constant 1.000000e+00 : f32
    %logistic3A_46 = vector.broadcast %logistic3A_45 : f32 to vector<1000x128xf32>
    %logistic3A_47 = arith.addf %logistic3A_46, %logistic3A_44 : vector<1000x128xf32>
    %logistic3A_48 = arith.divf %logistic3A_46, %logistic3A_47 : vector<1000x128xf32>
    %slice3A_49 = vector.extract_strided_slice %add3A_36 {offsets = [0, 256], sizes = [1000, 128], strides = [1, 1]} : vector<1000x384xf32> to vector<1000x128xf32>
    %tanh3A = math.tanh %slice3A_49 : vector<1000x128xf32>
    %mul3A = arith.mulf %logistic3A_41, %tanh3A : vector<1000x128xf32>
    %add3A_50 = arith.addf %mul3A, %concatenate3A_19 : vector<1000x128xf32>
    %tanh3A_51 = math.tanh %add3A_50 : vector<1000x128xf32>
    %mul3A_52 = arith.mulf %logistic3A_48, %tanh3A_51 : vector<1000x128xf32>
    %swap3A = arith.constant 0 : index
    %swap3A_53 = arith.constant 0 : index
    %swap3A_54 = vector.load %arg7[%swap3A, %swap3A_53] : memref<1000x128xf32, #tpu.memory_space<vmem>>, vector<1000x128xf32>
    tpu.vector_store %arg7[%swap3A, %swap3A_53], %add3A_50 {strides = array<i32>} : memref<1000x128xf32, #tpu.memory_space<vmem>>, vector<1000x128xf32>,
    %swap3A_55 = arith.constant 0 : index
    %swap3A_56 = arith.constant 0 : index
    %swap3A_57 = vector.load %arg6[%swap3A_55, %swap3A_56] : memref<1000x128xf32, #tpu.memory_space<vmem>>, vector<1000x128xf32>
    tpu.vector_store %arg6[%swap3A_55, %swap3A_56], %mul3A_52 {strides = array<i32>} : memref<1000x128xf32, #tpu.memory_space<vmem>>, vector<1000x128xf32>,
    return
  }
  func.func @transform_0(%arg0: i32) -> (i32, i32) {
    %c0_i32 = arith.constant 0 : i32
    %c0_i32_0 = arith.constant 0 : i32
    return %arg0, %c0_i32 : i32, i32
  }
  func.func @transform_1(%arg0: i32) -> (i32, i32, i32) {
    %c0_i32 = arith.constant 0 : i32
    %c0_i32_0 = arith.constant 0 : i32
    %c0_i32_1 = arith.constant 0 : i32
    return %c0_i32, %arg0, %c0_i32_0 : i32, i32, i32
  }
  func.func @transform_2(%arg0: i32) -> (i32, i32) {
    %c0_i32 = arith.constant 0 : i32
    %c0_i32_0 = arith.constant 0 : i32
    %c0_i32_1 = arith.constant 0 : i32
    return %c0_i32, %c0_i32_0 : i32, i32
  }
  func.func @transform_3(%arg0: i32) -> (i32, i32) {
    %c0_i32 = arith.constant 0 : i32
    %c0_i32_0 = arith.constant 0 : i32
    %c0_i32_1 = arith.constant 0 : i32
    return %c0_i32, %c0_i32_0 : i32, i32
  }
  func.func @transform_4(%arg0: i32) -> (i32, i32) {
    %c0_i32 = arith.constant 0 : i32
    %c0_i32_0 = arith.constant 0 : i32
    %c0_i32_1 = arith.constant 0 : i32
    return %c0_i32, %c0_i32_0 : i32, i32
  }
  func.func @transform_5(%arg0: i32) -> (i32, i32) {
    %c0_i32 = arith.constant 0 : i32
    %c0_i32_0 = arith.constant 0 : i32
    return %arg0, %c0_i32 : i32, i32
  }
  func.func @transform_6(%arg0: i32) -> (i32, i32) {
    %c0_i32 = arith.constant 0 : i32
    %c0_i32_0 = arith.constant 0 : i32
    return %arg0, %c0_i32 : i32, i32
  }
}

</mosaic_0001>

<sc_bundles>
// kernel: kernel.5.cloned.1.call-start
scs
__scs_entry_jumppad:
0x0: {  	(pc) =	sbr.rel $0x88, $3  }
0x1: {  	(tag) =	ssettag $0x0;
	lr =	simm.s32 $0x1  }
0x2: {  	[smem:$0x3F98] =	sst lr;
	_ =	strace $0xD0000000  }
0x3: {  	_ = 	snop  }
0x4: {  	_ = 	snop  }
0x5: {  	_ = 	snop  }
0x6: {  	_ = 	snop  }
0x7: {  	_ = 	snop  }
__scs_overlays_trampoline_lowered:
0x8: {  	[smem:$0x3FA7] =	sst s0  }
0x9: {  	[smem:$0x3FA8] =	sst s1  }
0xa: {  	[smem:$0x3FA9] =	sst s2  }
0xb: {  	[smem:$0x3FAA] =	sst s3  }
0xc: {  	[smem:$0x3FAB] =	sst s4  }
0xd: {  	[smem:$0x3FAC] =	sst s5  }
0xe: {  	[smem:$0x3FAD] =	sst s6  }
0xf: {  	[smem:$0x3FAE] =	sst s7  }
0x10: {  	[smem:$0x3FAF] =	sst s8  }
0x11: {  	[smem:$0x3FB0] =	sst s9;
	s0 =	simm.s32 @!p0 $0x0  }
0x12: {  	s1 =	sld [smem:$0x3F96];
	s0 =	simm.s32 @p0 $0x1  }
0x13: {  	[smem:$0x3FB1] =	sst s0;
	s0 =	simm.s32 @!p1 $0x0  }
0x14: {  	s2 =	sld [smem:$0x3F95];
	s0 =	simm.s32 @p1 $0x1  }
0x15: {  	[smem:$0x3FB2] =	sst s0;
	s0 =	simm.s32 @!p2 $0x0  }
0x16: {  	s3 =	sld [smem:$0x3FDB];
	s0 =	simm.s32 @p2 $0x1  }
0x17: {  	s4 =	simm.s32 $0x1BF5;
	[smem:$0x3FB4] =	sst s0  }
0x18: {  	s0 =	sld [smem:$0x3F97];
	_ =	swait.ge [sflag:s4], $0x0  }
0x19: {  	s7 =	sld [smem:$0x3F98]  }
0x1a: {  	s8 =	sadd.s32 $0xFFFFE003, lr  }
0x1b: {  	s9 =	sadd.s32 $0xFFFFFEF7, lr;
	s5 =	simm.s32 $0xFFFFFFFF;
	p2 =	slt.u32 s8, $0xFFFFF086  }
0x1c: {  	p1 =	slt.u32 s9, $0xF7A;
	s5 =	simm.s32 @!p2 $0x0  }
0x1d: {  	s5 =	simm.s32 @p1 $0x1;
	p0 =	seq.s32 s7, s2  }
0x1e: {  	s7 =	smul.u32 @!p0 $0xF7A, s2;
	p2 =	seq.s32 @!p0 s5, $0x0  }
0x1f: {  	s9 =	smul.u32 $0xF7A, s1;
	s8 =	simm.s32 @!p0 $0x1BF5;
	p2 =	por !p2, p0  }
0x20: {  	[sflag:s8] =	ssyncset.s32 @!p0 $0xFFFFF086;
	s6 =	sadd.s32 @!p0 s3, s7;
	s7 =	simm.s32 @!p0 $0x108  }
0x21: {  	s3 =	sadd.s32 s3, s9;
	s6 =	sadd.s32 @!p0 $0x88, s6;
	s7 =	simm.s32 @p2 $0x1082  }
0x22: {  	[simem:s7], [sflag:s8] =	dma.local @!p0 [hbm:s6], $0xF7A  }
0x23: {  	s9 =	sor.u32 $0xD0000000, s2;
	s6 =	simm.s32 $0x108;
	_ =	swait.ge @!p0 [sflag:s8], $0x0  }
0x24: {  	s3 =	sadd.s32 $0x88, s3;
	s6 =	simm.s32 @!p1 $0x1082;
	[sflag:s4] =	ssyncset.s32 $0xFFFFF086  }
0x25: {  	[simem:s6], [sflag:s4] =	dma.local [hbm:s3], $0xF7A  }
0x26: {  	[smem:$0x3F98] =	sst s1;
	(tag) =	ssettag s2;
	_ =	strace s9  }
0x27: {  	s1 =	sld [smem:$0x3FA8]  }
0x28: {  	s2 =	sld [smem:$0x3FA9]  }
0x29: {  	s4 =	sld [smem:$0x3FAB]  }
0x2a: {  	p0 =	seq.s32 s5, $0x0;
	s5 =	sld [smem:$0x3FAC]  }
0x2b: {  	s6 =	sld [smem:$0x3FAD]  }
0x2c: {  	s7 =	sld [smem:$0x3FAE]  }
0x2d: {  	s3 =	simm.s32 $0x108;
	s8 =	sld [smem:$0x3FAF]  }
0x2e: {  	s3 =	simm.s32 @!p0 $0x1082;
	s9 =	sld [smem:$0x3FB0]  }
0x2f: {  	lr =	sadd.s32 s0, s3;
	s0 =	sld [smem:$0x3FA7]  }
0x30: {  	s3 =	sld [smem:$0x3FAA]  }
0x31: {  	[smem:$0x3FB3] =	sst s10  }
0x32: {  	s10 =	sld [smem:$0x3FB1];
	_ =	sdelay $0x3  }
0x33: {  	p0 =	seq.s32 s10, $0x1;
	s10 =	sld [smem:$0x3FB3];
	_ =	sdelay $0x3  }
0x34: {  	[smem:$0x3FB3] =	sst s10  }
0x35: {  	s10 =	sld [smem:$0x3FB2];
	_ =	sdelay $0x3  }
0x36: {  	p1 =	seq.s32 s10, $0x1;
	s10 =	sld [smem:$0x3FB3];
	_ =	sdelay $0x3  }
0x37: {  	[smem:$0x3FB3] =	sst s10  }
0x38: {  	s10 =	sld [smem:$0x3FB4]  }
0x39: {  	_ = 	snop;
	(pc) =	sbr.ind lr, $3  }
0x3a: {  	_ = 	snop  }
0x3b: {  	_ = 	snop  }
0x3c: {  	p2 =	seq.s32 s10, $0x1;
	s10 =	sld [smem:$0x3FB3]  }
0x3d: {  	_ =	shalt  }
0x3e: {  	_ =	shalt  }
0x3f: {  	_ =	shalt  }
0x40: {  	_ =	shalt  }
0x41: {  	_ =	shalt  }
0x42: {  	_ =	shalt  }
0x43: {  	_ =	shalt  }
0x44: {  	_ =	shalt  }
0x45: {  	_ =	shalt  }
0x46: {  	_ =	shalt  }
0x47: {  	_ =	shalt  }
0x48: {  	_ =	shalt  }
0x49: {  	_ =	shalt  }
0x4a: {  	_ =	shalt  }
0x4b: {  	_ =	shalt  }
0x4c: {  	_ =	shalt  }
0x4d: {  	_ =	shalt  }
0x4e: {  	_ =	shalt  }
0x4f: {  	_ =	shalt  }
0x50: {  	_ =	shalt  }
0x51: {  	_ =	shalt  }
0x52: {  	_ =	shalt  }
0x53: {  	_ =	shalt  }
0x54: {  	_ =	shalt  }
0x55: {  	_ =	shalt  }
0x56: {  	_ =	shalt  }
0x57: {  	_ =	shalt  }
0x58: {  	_ =	shalt  }
0x59: {  	_ =	shalt  }
0x5a: {  	_ =	shalt  }
0x5b: {  	_ =	shalt  }
0x5c: {  	_ =	shalt  }
0x5d: {  	_ =	shalt  }
0x5e: {  	_ =	shalt  }
0x5f: {  	_ =	shalt  }
0x60: {  	_ =	shalt  }
0x61: {  	_ =	shalt  }
0x62: {  	_ =	shalt  }
0x63: {  	_ =	shalt  }
0x64: {  	_ =	shalt  }
0x65: {  	_ =	shalt  }
0x66: {  	_ =	shalt  }
0x67: {  	_ =	shalt  }
0x68: {  	_ =	shalt  }
0x69: {  	_ =	shalt  }
0x6a: {  	_ =	shalt  }
0x6b: {  	_ =	shalt  }
0x6c: {  	_ =	shalt  }
0x6d: {  	_ =	shalt  }
0x6e: {  	_ =	shalt  }
0x6f: {  	_ =	shalt  }
0x70: {  	_ =	shalt  }
0x71: {  	_ =	shalt  }
0x72: {  	_ =	shalt  }
0x73: {  	_ =	shalt  }
0x74: {  	_ =	shalt  }
0x75: {  	_ =	shalt  }
0x76: {  	_ =	shalt  }
0x77: {  	_ =	shalt  }
0x78: {  	_ =	shalt  }
0x79: {  	_ =	shalt  }
0x7a: {  	_ =	shalt  }
0x7b: {  	_ =	shalt  }
0x7c: {  	_ =	shalt  }
0x7d: {  	_ =	shalt  }
0x7e: {  	_ =	shalt  }
0x7f: {  	_ =	shalt  }
0x80: {  	_ =	shalt  }
0x81: {  	_ =	shalt  }
0x82: {  	_ =	shalt  }
0x83: {  	_ =	shalt  }
0x84: {  	_ =	shalt  }
0x85: {  	_ =	shalt  }
0x86: {  	_ =	shalt  }
0x87: {  	_ =	shalt  }
.Lfunc_end0:
.L_simem_size_0:
called_computation_lowered:
.L_overlay_start_0:
0x88: {  	s2 =	sld [smem:$0x3FD9]  }
0x89: {  	s3 =	sld [smem:$0x3FFE];
	_ =	sdelay $0x1  }
0x8a: {  	s1 =	srdreg.scid  }
0x8b: {  	s0 =	sand.u32 $0x1, s1  }
0x8c: {  	s14 =	sshll.u32 s0, $0xA;
	s2 =	sadd.s32 s3, s2  }
0x8d: {  	s2 =	sadd.s32 s2, s14  }
0x8e: {  	[smem:$0x3FBF] =	sst s2  }
0x8f: {  	_ = 	snop  }
0x90: {  	s2 =	sld [smem:$0x3FD0];
	_ =	sdelay $0x2  }
0x91: {  	s15 =	simm.s32 $0xA;
	s4 =	simm.s32 $0x10  }
0x92: {  	[smem:s4], [sflag:s15] =	dma.local [hbm:s2], $0x1  }
0x93: {  	_ =	swait.eq [sflag:s15], $0x1  }
0x94: {  	[sflag:s15] =	ssyncset.done $0x0  }
0x95: {  	[sflag:s15] =	ssyncadd.s32 $0xFFFFFFFF  }
0x96: {  	s16 =	sld [smem:$0x11];
	(tm) =	ssettm $0x1  }
0x97: {  	s17 =	sld [smem:$0x3FFB];
	_ =	sdelay $0x3  }
0x98: {  	_ =	strace s17  }
0x99: {  	s3 =	sld [smem:$0x3FFC];
	_ =	sdelay $0x3  }
0x9a: {  	_ =	strace s3  }
0x9b: {  	s3 =	sld [smem:$0x3FFD];
	_ =	sdelay $0x3  }
0x9c: {  	_ =	strace s3  }
0x9d: {  	_ =	strace $0x8FFFFFFF  }
0x9e: {  	s18 =	sld [smem:$0x3FDB];
	_ =	sdelay $0x1  }
0x9f: {  	s19 =	simm.s32 $_scs_section_size  }
0xa0: {  	s5 =	simm.s32 $_size__tile_overlayer_lowered;
	s6 =	simm.s32 $_tile_overlayer_lowered  }
0xa1: {  	s22 =	simm.s32 $0x1BFF;
	s21 =	sshll.u32 s6, $0x1;
	s3 =	sadd.s32 s19, s18  }
0xa2: {  	s7 =	simm.s32 $0x0;
	s20 =	sshll.u32 s5, $0x1;
	s5 =	sadd.s32 s21, s3  }
0xa3: {  	[timem:s7], [sflag:s22] =	dma.local [hbm:s5], s20  }
0xa4: {  	_ =	swait.ge [sflag:s22], s20  }
0xa5: {  	s4 =	ssub.s32 $0x0, s20;
	[sflag:s22] =	ssyncset.done $0x0  }
0xa6: {  	[sflag:s22] =	ssyncadd.s32 s4;
	_ =	sdelay $0x1  }
0xa7: {  	s23 =	simm.s32 $0x1B8B  }
0xa8: {  	_ =	swait.ge [sflag:s23], $0x1  }
0xa9: {  	[sflag:s23] =	ssyncset.done $0x0  }
0xaa: {  	s25 =	simm.s32 $0x1B8E;
	s24 =	sld [smem:$0x3FFE];
	[sflag:s23] =	ssyncadd.s32 $0xFFFFFFFF  }
0xab: {  	s26 =	simm.s32 $execute0_lowered;
	[smem:$0x3FD2] =	sst s25  }
0xac: {  	s5 =	sshll.u32 s26, $0x1;
	_ =	strace $0x80000046;
	[dreg:$0x1] =	wrdreg $0xFFFFFFFF  }
0xad: {  	s28 =	simm.s32 $_size_execute0_lowered;
	s3 =	sadd.s32 s3, s5;
	[dreg:$0x0] =	wrdreg $0x0  }
0xae: {  	s5 =	sshll.u32 s28, $0x1;
	[dreg:$0x2] =	wrdreg s3  }
0xaf: {  	[dreg:$0x3] =	wrdreg s5  }
0xb0: {  	[dreg:$0x4] =	wrdreg $0xC0  }
0xb1: {  	_ =	task [dreg:s7], $0x5FFFF  }
0xb2: {  	[dreg:$0x1] =	wrdreg $0xFFFFFFFF  }
0xb3: {  	[dreg:$0x0] =	wrdreg $0x60  }
0xb4: {  	[dreg:$0x2] =	wrdreg s24  }
0xb5: {  	[dreg:$0x3] =	wrdreg s16  }
0xb6: {  	[dreg:$0x4] =	wrdreg $0x0  }
0xb7: {  	[dreg:$0x5] =	wrdreg $0x9  }
0xb8: {  	_ =	task.clear_ibuf [dreg:s7], $0x6FFFF;
	_ =	strace $0x90000046  }
0xb9: {  	s29 =	simm.s32 $0x9;
	_ =	strace $0x80000048  }
0xba: {  	_ =	swait.ge [sflag:s29], $0x1  }
0xbb: {  	[sflag:s29] =	ssyncadd.s32 $0xFFFFFFFF  }
0xbc: {  	_ =	strace $0x90000048  }
0xbd: {  	_ =	sfence  }
0xbe: {  	s30 =	sld [smem:$0x0];
	_ =	sdelay $0x2  }
0xbf: {  	s31 =	sshll.u32 s1, $0xD;
	s1 =	sshrl.u32 s1, $0x2  }
0xc0: {  	s3 =	sand.u32 $0x4000, s31;
	s1 =	sadd.s32 s1, s30  }
0xc1: {  	s0 =	sor.u32 s3, s0;
	s1 =	sshll.u32 s1, $0x11  }
0xc2: {  	s0 =	sor.u32 s1, s0  }
0xc3: {  	s0 =	sadd.s32 $0x8F2B, s0  }
0xc4: {  	[sflag:s0] =	ssyncadd.remote.s32 $0x1  }
0xc5: {  	_ =	sfence.sel $0xFFFF  }
0xc6: {  	[dreg:$0x0] =	wrdreg $0xFFFFFFFF;
	(pc) =	sbr.abs _section_cstart, $3  }
0xc7: {  	[dreg:$0x1] =	wrdreg $0xFFFFFFFF  }
0xc8: {  	_ =	task.clear_ibuf [dreg:s7], $0x2FFFF;
	_ =	strace $0x9FFFFFFF  }
0xc9: {  	(tm) =	ssettm $0x7FFFFFFF  }
tec
execute0_lowered:
.L_overlay_start_1:
0x0: {  	(tag) =	ssettag $0x1  }
0x1: {  	s6 =	rddreg [dreg:$0x0]  }
0x2: {  	s1 =	rddreg [dreg:$0x1]  }
0x3: {  	s2 =	rddreg [dreg:$0x2]  }
0x4: {  	s3 =	srdreg.scid;
	s0 =	rddreg [dreg:$0x3]  }
0x5: {  	s4 =	simm.s32 $0x0;
	s14 =	simm.s32 $0x80;
	s15 =	simm.s32 $0x13E00  }
0x6: {  	s16 =	simm.s32 $0x13D00;
	s17 =	simm.s32 $0x17E00;
	s18 =	simm.s32 $0x1  }
0x7: {  	s19 =	simm.s32 $0x13C80;
	s20 =	simm.s32 $0x2;
	s7 =	sand.u32 $0x1, s3  }
0x8: {  	s21 =	simm.s32 $0x13D80;
	s3 =	stileid.u32;
	s8 =	smul.u32 $0x13C000, s7  }
0x9: {  	s22 =	simm.s32 $0x0;
	[smem:$0x7FF] =	sst s4;
	s9 =	smul.u32 $0x13C00, s3  }
0xa: {  	s5 =	sadd.s32 $0x29C00, s6;
	s13 =	sadd.s32 $0x2400, s6;
	s10 =	smul.u32 $0x4F000, s3  }
0xb: {  	_ =	strace $0x80000047;
	s25 =	ssub.s32 $0x2, s7;
	s7 =	smul.u32 $0x9E000, s7  }
0xc: {  	s12 =	smul.u32 $0x9E00, s3;
	s28 =	sshll.u32 s3, $0x6;
	s11 =	sshrl.u32 s25, $0x1  }
0xd: {  	s8 =	sadd.s32 s9, s8;
	s9 =	ssub.s32 s25, s11;
	s26 =	sshrl.u32 s10, $0x2  }
0xe: {  	s29 =	sadd.s32 s12, s7;
	s12 =	simm.s32 $0x3;
	s8 =	sshrl.u32 s8, $0x3  }
0xf: {  	s30 =	sadd.s32 s26, s2;
	s31 =	sor.u32 $0x100, s29;
	s11 =	sshrl.u32 s29, $0x3  }
0x10: {  	s8 =	sadd.s32 s8, s6;
	s6 =	sor.u32 $0x1C03, s28;
	s10 =	sshrl.u32 s31, $0x3  }
0x11: {  	s7 =	sadd.s32 $0x77E00, s8;
	s8 =	smax.u32 s9, $0x1;
	s9 =	sadd.s32 s10, s13  }
0x12: {  	s10 =	sadd.s32 s11, s13;
	s11 =	sshrl.u32 s30, $0x3;
	s13 =	simm.s32 $0x13C00  }
.LBB2_1:
0x13: {  	[spmem:s11], [sflag:s6] =	dma.local [hbm:s1], $0x2780  }
0x14: {  	_ =	swait.ge [sflag:s12], $0x2780  }
0x15: {  	[sflag:s12] =	ssyncset.done $0x0  }
0x16: {  	[sflag:s12] =	ssyncadd.s32 $0xFFFFD880  }
0x17: {  	s23 =	sadd.s32 $0x0, s10;
	[bflag:$0x0] =	sbarrier.arrive $0xFFFF  }
0x18: {  	[tilespmem:s13], [sflag:$0x3] =	stream.linear.gather [hbm4b:s23+s4], $0x100, $0x38;
	[tilespmem:$0x1BE00] =	vst v63  }
0x19: {  	_ =	swait.ge [sflag:s12], $0x100  }
0x1a: {  	[sflag:s12] =	ssyncset.done $0x0  }
0x1b: {  	[sflag:s12] =	ssyncadd.s32 $0xFFFFFF00  }
0x1c: {  	[tilespmem:s15], [sflag:$0x1] =	stream.indirect.gather [hbm4b:s5+s14], $0x80, s13, s14, $0xb8;
	[tilespmem:$0x1BE00] =	vst v63  }
0x1d: {  	s31 =	sadd.s32 $0x0, s9  }
0x1e: {  	[tilespmem:s16], [sflag:$0x3] =	stream.linear.gather [hbm4b:s31+s4], $0x100, $0x38;
	[tilespmem:$0x1BE00] =	vst v63  }
0x1f: {  	_ =	swait.ge [sflag:s12], $0x100  }
0x20: {  	[sflag:s12] =	ssyncset.done $0x0  }
0x21: {  	[sflag:s12] =	ssyncadd.s32 $0xFFFFFF00  }
0x22: {  	[tilespmem:s17], [sflag:$0x2] =	stream.indirect.gather [hbm4b:s5+s14], $0x80, s16, s14, $0xb8;
	[tilespmem:$0x1BE00] =	vst v63  }
0x23: {  	_ =	swait.ge [sflag:s18], $0x4000  }
0x24: {  	[sflag:s18] =	ssyncset.done $0x0  }
0x25: {  	[sflag:s18] =	ssyncadd.s32 $0xFFFFC000  }
0x26: {  	[spmem:s2] =	stream.indirect.scatter.add.f32 [tilespmem:s15], [sflag:$0x3], $0x80, s19, s14, $0xb8;
	[tilespmem:$0x1BE00] =	vst v63  }
0x27: {  	_ =	swait.ge [sflag:s12], $0x4000  }
0x28: {  	[sflag:s12] =	ssyncset.done $0x0  }
0x29: {  	[sflag:s12] =	ssyncadd.s32 $0xFFFFC000  }
0x2a: {  	_ =	swait.ge [sflag:s20], $0x4000  }
0x2b: {  	[sflag:s20] =	ssyncset.done $0x0  }
0x2c: {  	[sflag:s20] =	ssyncadd.s32 $0xFFFFC000  }
0x2d: {  	[spmem:s2] =	stream.indirect.scatter.add.f32 [tilespmem:s17], [sflag:$0x3], $0x80, s21, s14, $0xb8;
	[tilespmem:$0x1BE00] =	vst v63  }
0x2e: {  	_ =	swait.ge [sflag:s12], $0x4000  }
0x2f: {  	s24 =	simm.s32 $0x80;
	s23 =	simm.s32 $0x40;
	[sflag:s12] =	ssyncset.done $0x0  }
.LBB2_2:
0x30: {  	s25 =	sadd.s32 s23, s10  }
0x31: {  	[sflag:s12] =	ssyncadd.s32 $0xFFFFC000;
	s26 =	smov.u32 s24;
	s28 =	sadd.s32 $0x40, s24  }
0x32: {  	[tilespmem:s13], [sflag:$0x3] =	stream.linear.gather [hbm4b:s25+s4], $0x100, $0x38;
	[tilespmem:$0x1BE00] =	vst v63  }
0x33: {  	p0 =	sne.s32 s24, $0x1380;
	_ =	swait.ge [sflag:s12], $0x100  }
0x34: {  	[sflag:s12] =	ssyncset.done $0x0  }
0x35: {  	[sflag:s12] =	ssyncadd.s32 $0xFFFFFF00  }
0x36: {  	[tilespmem:s15], [sflag:$0x1] =	stream.indirect.gather [hbm4b:s5+s14], $0x80, s13, s14, $0xb8;
	[tilespmem:$0x1BE00] =	vst v63  }
0x37: {  	s24 =	sadd.s32 s23, s9;
	s23 =	smov.u32 s26  }
0x38: {  	[tilespmem:s16], [sflag:$0x3] =	stream.linear.gather [hbm4b:s24+s4], $0x100, $0x38;
	[tilespmem:$0x1BE00] =	vst v63  }
0x39: {  	_ =	swait.ge [sflag:s12], $0x100  }
0x3a: {  	[sflag:s12] =	ssyncset.done $0x0  }
0x3b: {  	[sflag:s12] =	ssyncadd.s32 $0xFFFFFF00  }
0x3c: {  	[tilespmem:s17], [sflag:$0x2] =	stream.indirect.gather [hbm4b:s5+s14], $0x80, s16, s14, $0xb8;
	[tilespmem:$0x1BE00] =	vst v63  }
0x3d: {  	_ =	swait.ge [sflag:s18], $0x4000  }
0x3e: {  	[sflag:s18] =	ssyncset.done $0x0  }
0x3f: {  	[sflag:s18] =	ssyncadd.s32 $0xFFFFC000  }
0x40: {  	[spmem:s2] =	stream.indirect.scatter.add.f32 [tilespmem:s15], [sflag:$0x3], $0x80, s19, s14, $0xb8;
	[tilespmem:$0x1BE00] =	vst v63  }
0x41: {  	_ =	swait.ge [sflag:s12], $0x4000  }
0x42: {  	[sflag:s12] =	ssyncset.done $0x0  }
0x43: {  	[sflag:s12] =	ssyncadd.s32 $0xFFFFC000  }
0x44: {  	_ =	swait.ge [sflag:s20], $0x4000  }
.Ltmp0:
0x45: {  	[sflag:s20] =	ssyncset.done $0x0;
	(pc) =	sbr.rel @p0 .LBB2_2-.Ltmp0, $4  }
0x46: {  	[sflag:s20] =	ssyncadd.s32 $0xFFFFC000  }
0x47: {  	[spmem:s2] =	stream.indirect.scatter.add.f32 [tilespmem:s17], [sflag:$0x3], $0x80, s21, s14, $0xb8;
	[tilespmem:$0x1BE00] =	vst v63  }
0x48: {  	_ =	swait.ge [sflag:s12], $0x4000  }
0x49: {  	s24 =	smov.u32 s28;
	[sflag:s12] =	ssyncset.done $0x0  }
0x4a: {  	s24 =	sadd.s32 s23, s10;
	[sflag:s12] =	ssyncadd.s32 $0xFFFFC000  }
0x4b: {  	[tilespmem:s13], [sflag:$0x3] =	stream.linear.gather [hbm4b:s24+s4], $0x100, $0x38;
	[tilespmem:$0x1BE00] =	vst v63  }
0x4c: {  	_ =	swait.ge [sflag:s12], $0x100  }
0x4d: {  	[sflag:s12] =	ssyncset.done $0x0  }
0x4e: {  	[sflag:s12] =	ssyncadd.s32 $0xFFFFFF00  }
0x4f: {  	[tilespmem:s15], [sflag:$0x1] =	stream.indirect.gather [hbm4b:s5+s14], $0x80, s13, s14, $0xb8;
	[tilespmem:$0x1BE00] =	vst v63  }
0x50: {  	s31 =	sadd.s32 s23, s9  }
0x51: {  	[tilespmem:s16], [sflag:$0x3] =	stream.linear.gather [hbm4b:s31+s4], $0x100, $0x38;
	[tilespmem:$0x1BE00] =	vst v63  }
0x52: {  	_ =	swait.ge [sflag:s12], $0x100  }
0x53: {  	[sflag:s12] =	ssyncset.done $0x0  }
0x54: {  	[sflag:s12] =	ssyncadd.s32 $0xFFFFFF00  }
0x55: {  	[tilespmem:s17], [sflag:$0x2] =	stream.indirect.gather [hbm4b:s5+s14], $0x80, s16, s14, $0xb8;
	[tilespmem:$0x1BE00] =	vst v63  }
0x56: {  	_ =	swait.ge [sflag:s18], $0x4000  }
0x57: {  	[sflag:s18] =	ssyncset.done $0x0  }
0x58: {  	[sflag:s18] =	ssyncadd.s32 $0xFFFFC000  }
0x59: {  	[spmem:s2] =	stream.indirect.scatter.add.f32 [tilespmem:s15], [sflag:$0x3], $0x80, s19, s14, $0xb8;
	[tilespmem:$0x1BE00] =	vst v63  }
0x5a: {  	_ =	swait.ge [sflag:s12], $0x4000  }
0x5b: {  	[sflag:s12] =	ssyncset.done $0x0  }
0x5c: {  	[sflag:s12] =	ssyncadd.s32 $0xFFFFC000  }
0x5d: {  	_ =	swait.ge [sflag:s20], $0x4000  }
0x5e: {  	[sflag:s20] =	ssyncset.done $0x0  }
0x5f: {  	[sflag:s20] =	ssyncadd.s32 $0xFFFFC000  }
0x60: {  	[spmem:s2] =	stream.indirect.scatter.add.f32 [tilespmem:s17], [sflag:$0x3], $0x80, s21, s14, $0xb8;
	[tilespmem:$0x1BE00] =	vst v63  }
0x61: {  	_ =	swait.ge [sflag:s12], $0x4000  }
0x62: {  	s22 =	sadd.s32 $0x1, s22;
	[sflag:s12] =	ssyncset.done $0x0  }
0x63: {  	p0 =	sne.s32 s22, s8;
	[sflag:s12] =	ssyncadd.s32 $0xFFFFC000  }
.Ltmp1:
0x64: {  	[bflag:$0x0] =	sbarrier.arrive $0xFFFF;
	(pc) =	sbr.rel @p0 .LBB2_1-.Ltmp1, $4  }
0x65: {  	[hbm:s7], [sflag:s6] =	dma.local [spmem:s11], $0x2780  }
0x66: {  	_ =	swait.ge [sflag:s12], $0x2780  }
0x67: {  	[sflag:s12] =	ssyncset.done $0x0  }
0x68: {  	[sflag:s12] =	ssyncadd.s32 $0xFFFFD880  }
0x69: {  	_ =	sfence.sel $0x180000  }
0x6a: {  	[bflag:$0x0] =	sbarrier.arrive $0xFFFF  }
0x6b: {  	p0 =	sne.s32 s3, $0x0;
	_ =	strace $0x90000047  }
0x6c: {  	s0 =	sadd.s32 @!p0 $0x100000, s0;
	[bflag:$0x2] =	sbarrier.arrive $0xFFFF  }
0x6d: {  	[sflag:s0] =	ssyncadd.tile.s32 @!p0 $0x1;
	_ =	shalt  }
.Lfunc_end2:
_tile_overlayer_lowered:
.L_overlay_start_2:
0x6e: {  	(tag) =	ssettag $0x2  }
0x6f: {  	s0 =	rddreg [dreg:$0x0];
	s2 =	stileid.u32  }
0x70: {  	s1 =	rddreg [dreg:$0x1];
	p0 =	sne.s32 s2, $0x0  }
0x71: {  	s3 =	rddreg [dreg:$0x2];
	[bflag:$0x3] =	sbarrier.arrive $0xFFFF;
	s2 =	simm.s32 @!p0 $0x1C03  }
0x72: {  	[timem:s3], [sflag:s2] =	dma.local @!p0 [hbm:s0], s1  }
0x73: {  	s0 =	simm.s32 @!p0 $0x3  }
0x74: {  	_ =	swait.ge @!p0 [sflag:s0], s1  }
0x75: {  	s1 =	ssub.s32 @!p0 $0x0, s1;
	[sflag:s0] =	ssyncset.done @!p0 $0x0  }
0x76: {  	[sflag:s0] =	ssyncadd.s32 @!p0 s1  }
0x77: {  	[bflag:$0x3] =	sbarrier.arrive $0xFFFF  }
0x78: {  	_ =	shalt  }

</sc_bundles>
